<compile_context>
chip_gen: v7x
topology: tpu7x:2x2x1
jax: 0.10.2.dev20260603
libtpu: 0.0.44.dev20260713+nightly
codegen_flags: <defaults>
</compile_context>

<pallas_src>
import jax
import jax.numpy as jnp
from jax import lax
from jax.experimental import pallas as pl
from jax.experimental.pallas import tpu as pltpu
from jax.experimental.pallas import tpu_sc as plsc

VOCAB = 100000
EMBED_DIM = 128
BATCH = 16384
HIST_LEN = 50

NC = 2
NS = 16
NW = NC * NS
TOTAL_ROWS = BATCH * HIST_LEN
ROWS_PER_W = TOTAL_ROWS // NW
CHUNK = 128
N_CHUNK = ROWS_PER_W // CHUNK


SUPER = 2
N_SUPER = N_CHUNK // SUPER
NBUF = 2


def _sc_gather(ids_hbm, table_hbm, out_hbm, idx_v, bufs, gsems, wsems):
    c = lax.axis_index("c")
    s = lax.axis_index("s")
    wid = s * NC + c
    base0 = wid * ROWS_PER_W

    pltpu.sync_copy(ids_hbm.at[wid], idx_v)

    def start_gather(jsup, b):
        for h in range(SUPER):
            pltpu.async_copy(
                table_hbm.at[idx_v.at[jsup * SUPER + h]],
                bufs[b].at[pl.ds(h * CHUNK, CHUNK)],
                gsems[b],
            )

    def wait_gather(b):
        for h in range(SUPER):
            pltpu.make_async_copy(
                table_hbm.at[idx_v.at[0]], bufs[b].at[pl.ds(0, CHUNK)], gsems[b]
            ).wait()

    def start_write(jsup, b):
        pltpu.async_copy(
            bufs[b],
            out_hbm.at[pl.ds(base0 + jsup * SUPER * CHUNK, SUPER * CHUNK)],
            wsems[b],
        )

    def wait_write(b):
        pltpu.make_async_copy(
            bufs[b], out_hbm.at[pl.ds(base0, SUPER * CHUNK)], wsems[b]
        ).wait()

    for b in range(NBUF):
        start_gather(b, b)

    @pl.loop(0, N_SUPER, step=NBUF)
    def _(jj):
        for b in range(NBUF):
            j = jj + b
            wait_gather(b)
            start_write(j, b)
            n = j + NBUF

            @pl.when(n < N_SUPER)
            def _():
                wait_write(b)
                start_gather(n, b)

    for b in range(NBUF):
        wait_write(b)


@jax.jit
def _embed(ids_grouped, item_table):
    mesh = plsc.VectorSubcoreMesh(core_axis_name="c", subcore_axis_name="s")
    run = pl.kernel(
        _sc_gather,
        out_type=jax.ShapeDtypeStruct((TOTAL_ROWS, EMBED_DIM), jnp.float32),
        mesh=mesh,
        compiler_params=pltpu.CompilerParams(use_tc_tiling_on_sc=True),
        scratch_types=[
            pltpu.VMEM((N_CHUNK, CHUNK), jnp.int32),
            tuple(pltpu.VMEM((SUPER * CHUNK, EMBED_DIM), jnp.float32) for _ in range(NBUF)),
            tuple(pltpu.SemaphoreType.DMA for _ in range(NBUF)),
            tuple(pltpu.SemaphoreType.DMA for _ in range(NBUF)),
        ],
    )
    return run(ids_grouped, item_table)


def kernel(item_ids, item_table):
    ids_t = item_ids.astype(jnp.int32).T
    ids_grouped = ids_t.reshape(NW, N_CHUNK, CHUNK)
    out = _embed(ids_grouped, item_table)
    return out.reshape(HIST_LEN, BATCH, EMBED_DIM).transpose(1, 0, 2)

# --- scband reference (transcript-rebuilt; emitter-appended) ---
"""Pipeline reference for scband-re-canet-embedder-20383914787111 (READ-ONLY COPY).

The authoritative reference and input builder live on the scoring server;
editing this copy changes nothing except your own understanding.
"""

import jax, jax.numpy as jnp
import numpy as np

VOCAB = 100000
EMBED_DIM = 128
BATCH = 16384
HIST_LEN = 50


def setup_inputs(seed: int = 0) -> dict:
    key = jax.random.key(seed)
    k_idx = jax.random.fold_in(key, 1)
    k_tbl = jax.random.fold_in(key, 2)
    item_ids = jax.random.randint(k_idx, (BATCH, HIST_LEN), 0, VOCAB, dtype=jnp.int64 if jax.config.jax_enable_x64 else jnp.int32)
    item_table = jax.random.normal(k_tbl, (VOCAB, EMBED_DIM), dtype=jnp.float32) * 0.02
    return {"item_ids": item_ids, "item_table": item_table}


def reference(item_ids, item_table):
    # Faithful core of ReCANetEmbedder.cacu_x: mapped item ids -> embedding lookup.
    # (Python-dict id remapping is a host-side preprocessing step; mapped ids are
    #  already in [0, vocab) here, matching nn.Embedding(mapped) semantics.)
    return jnp.take(item_table, item_ids, axis=0)

if __name__ == "__main__":
    import jax
    _d = setup_inputs()
    print(jax.jit(kernel)(*tuple(_d.values())))

</pallas_src>

<mosaic_0001>
#map = affine_map<(d0, d1) -> (0, 0, 0)>
#map1 = affine_map<(d0, d1) -> (0, 0)>
module attributes {stable_mosaic.version = 14 : i64} {
  func.func @_sc_gather(%arg0: i32, %arg1: i32, %arg2: memref<32x200x128xi32, #tpu.memory_space<hbm>>, %arg3: memref<100000x128xf32, #tpu.memory_space<hbm>>, %arg4: memref<819200x128xf32, #tpu.memory_space<hbm>>, %arg5: memref<200x128xi32, #tpu.memory_space<vmem>>, %arg6: memref<256x128xf32, #tpu.memory_space<vmem>>, %arg7: memref<256x128xf32, #tpu.memory_space<vmem>>, %arg8: memref<!tpu.dma_semaphore, #tpu.memory_space<semaphore_mem>>, %arg9: memref<!tpu.dma_semaphore, #tpu.memory_space<semaphore_mem>>, %arg10: memref<!tpu.dma_semaphore, #tpu.memory_space<semaphore_mem>>, %arg11: memref<!tpu.dma_semaphore, #tpu.memory_space<semaphore_mem>>) attributes {dimension_semantics = [#tpu.dimension_semantics<core_parallel>, #tpu.dimension_semantics<subcore_parallel>], iteration_bounds = array<i64: 2, 16>, scalar_prefetch = 0 : i64, scratch_operands = 7 : i64, tpu.core_type = #tpu.core_type<sc_vector_subcore>, window_params = [{transform_indices = #map}, {transform_indices = #map1}, {transform_indices = #map1}]} {
    %mul3A = arith.constant 2 : i32
    %mul3A_0 = arith.muli %arg1, %mul3A : i32
    %add3A = arith.addi %mul3A_0, %arg0 : i32
    %mul3A_1 = arith.constant 25600 : i32
    %mul3A_2 = arith.muli %add3A, %mul3A_1 : i32
    "tpu.region"() ({
      %run_scoped3A = tpu.sem_alloc : memref<!tpu.dma_semaphore, #tpu.memory_space<semaphore_mem>>
      %dma_start3A_53 = arith.constant 0 : i32
      %dma_start3A_54 = arith.constant 0 : i32
      %dma_start3A_55 = tpu.memref_slice %arg2[%add3A, %dma_start3A_53, %dma_start3A_54] : memref<32x200x128xi32, #tpu.memory_space<hbm>> -> memref<1x200x128xi32, #tpu.memory_space<hbm>>
      %dma_start3A_56 = tpu.memref_squeeze %dma_start3A_55 : memref<1x200x128xi32, #tpu.memory_space<hbm>> -> memref<200x128xi32, #tpu.memory_space<hbm>>
      %dma_start3A_57 = arith.constant 0 : i32
      %dma_start3A_58 = arith.constant 0 : i32
      %dma_start3A_59 = tpu.memref_slice %arg2[%add3A, %dma_start3A_57, %dma_start3A_58] : memref<32x200x128xi32, #tpu.memory_space<hbm>> -> memref<1x200x128xi32, #tpu.memory_space<hbm>>
      %dma_start3A_60 = tpu.memref_squeeze %dma_start3A_59 : memref<1x200x128xi32, #tpu.memory_space<hbm>> -> memref<200x128xi32, #tpu.memory_space<hbm>>
      tpu.enqueue_dma source(%dma_start3A_60 : memref<200x128xi32, #tpu.memory_space<hbm>>) target(%arg5 : memref<200x128xi32, #tpu.memory_space<vmem>>) target_semaphore(%run_scoped3A : memref<!tpu.dma_semaphore, #tpu.memory_space<semaphore_mem>>)
      %dma_wait3A_61 = arith.constant 0 : i32
      %dma_wait3A_62 = arith.constant 0 : i32
      %dma_wait3A_63 = tpu.memref_slice %arg2[%add3A, %dma_wait3A_61, %dma_wait3A_62] : memref<32x200x128xi32, #tpu.memory_space<hbm>> -> memref<1x200x128xi32, #tpu.memory_space<hbm>>
      %dma_wait3A_64 = tpu.memref_squeeze %dma_wait3A_63 : memref<1x200x128xi32, #tpu.memory_space<hbm>> -> memref<200x128xi32, #tpu.memory_space<hbm>>
      %dma_wait3A_65 = arith.constant 0 : i32
      %dma_wait3A_66 = arith.constant 0 : i32
      %dma_wait3A_67 = tpu.memref_slice %arg2[%add3A, %dma_wait3A_65, %dma_wait3A_66] : memref<32x200x128xi32, #tpu.memory_space<hbm>> -> memref<1x200x128xi32, #tpu.memory_space<hbm>>
      %dma_wait3A_68 = tpu.memref_squeeze %dma_wait3A_67 : memref<1x200x128xi32, #tpu.memory_space<hbm>> -> memref<200x128xi32, #tpu.memory_space<hbm>>
      tpu.wait_dma2 semaphore(%run_scoped3A : memref<!tpu.dma_semaphore, #tpu.memory_space<semaphore_mem>>) src(%dma_wait3A_68 : memref<200x128xi32, #tpu.memory_space<hbm>>) dst(%arg5 : memref<200x128xi32, #tpu.memory_space<vmem>>)
      tpu.yield
    }) : () -> ()
    %dma_start3A = arith.constant 0 : i32
    %dma_start3A_3 = arith.constant 0 : i32
    %dma_start3A_4 = arith.constant 0 : i32
    %dma_start3A_5 = tpu.memref_slice %arg6[%dma_start3A_3, %dma_start3A_4] : memref<256x128xf32, #tpu.memory_space<vmem>> -> memref<128x128xf32, #tpu.memory_space<vmem>>
    %dma_start3A_6 = arith.constant 0 : i32
    %dma_start3A_7 = tpu.memref_slice %arg5[%dma_start3A, %dma_start3A_6] : memref<200x128xi32, #tpu.memory_space<vmem>> -> memref<1x128xi32, #tpu.memory_space<vmem>>
    %dma_start3A_8 = tpu.memref_squeeze %dma_start3A_7 : memref<1x128xi32, #tpu.memory_space<vmem>> -> memref<128xi32, #tpu.memory_space<vmem>>
    %dma_start3A_9 = arith.constant 0 : i32
    %dma_start3A_10 = arith.constant 0 : i32
    %dma_start3A_11 = tpu.memref_slice %arg3[%dma_start3A_9, %dma_start3A_10] : memref<100000x128xf32, #tpu.memory_space<hbm>> -> memref<100000x128xf32, #tpu.memory_space<hbm>>
    tpu.enqueue_indirect_dma source(%dma_start3A_11 : memref<100000x128xf32, #tpu.memory_space<hbm>>) target(%dma_start3A_5 : memref<128x128xf32, #tpu.memory_space<vmem>>) offsets(%dma_start3A_8 : memref<128xi32, #tpu.memory_space<vmem>>) semaphore(%arg8 : memref<!tpu.dma_semaphore, #tpu.memory_space<semaphore_mem>>)
    %dma_start3A_12 = arith.constant 1 : i32
    %dma_start3A_13 = arith.constant 128 : i32
    %dma_start3A_14 = arith.constant 0 : i32
    %dma_start3A_15 = tpu.memref_slice %arg6[%dma_start3A_13, %dma_start3A_14] : memref<256x128xf32, #tpu.memory_space<vmem>> -> memref<128x128xf32, #tpu.memory_space<vmem>>
    %dma_start3A_16 = arith.constant 0 : i32
    %dma_start3A_17 = tpu.memref_slice %arg5[%dma_start3A_12, %dma_start3A_16] : memref<200x128xi32, #tpu.memory_space<vmem>> -> memref<1x128xi32, #tpu.memory_space<vmem>>
    %dma_start3A_18 = tpu.memref_squeeze %dma_start3A_17 : memref<1x128xi32, #tpu.memory_space<vmem>> -> memref<128xi32, #tpu.memory_space<vmem>>
    %dma_start3A_19 = arith.constant 0 : i32
    %dma_start3A_20 = arith.constant 0 : i32
    %dma_start3A_21 = tpu.memref_slice %arg3[%dma_start3A_19, %dma_start3A_20] : memref<100000x128xf32, #tpu.memory_space<hbm>> -> memref<100000x128xf32, #tpu.memory_space<hbm>>
    tpu.enqueue_indirect_dma source(%dma_start3A_21 : memref<100000x128xf32, #tpu.memory_space<hbm>>) target(%dma_start3A_15 : memref<128x128xf32, #tpu.memory_space<vmem>>) offsets(%dma_start3A_18 : memref<128xi32, #tpu.memory_space<vmem>>) semaphore(%arg8 : memref<!tpu.dma_semaphore, #tpu.memory_space<semaphore_mem>>)
    %dma_start3A_22 = arith.constant 2 : i32
    %dma_start3A_23 = arith.constant 0 : i32
    %dma_start3A_24 = arith.constant 0 : i32
    %dma_start3A_25 = tpu.memref_slice %arg7[%dma_start3A_23, %dma_start3A_24] : memref<256x128xf32, #tpu.memory_space<vmem>> -> memref<128x128xf32, #tpu.memory_space<vmem>>
    %dma_start3A_26 = arith.constant 0 : i32
    %dma_start3A_27 = tpu.memref_slice %arg5[%dma_start3A_22, %dma_start3A_26] : memref<200x128xi32, #tpu.memory_space<vmem>> -> memref<1x128xi32, #tpu.memory_space<vmem>>
    %dma_start3A_28 = tpu.memref_squeeze %dma_start3A_27 : memref<1x128xi32, #tpu.memory_space<vmem>> -> memref<128xi32, #tpu.memory_space<vmem>>
    %dma_start3A_29 = arith.constant 0 : i32
    %dma_start3A_30 = arith.constant 0 : i32
    %dma_start3A_31 = tpu.memref_slice %arg3[%dma_start3A_29, %dma_start3A_30] : memref<100000x128xf32, #tpu.memory_space<hbm>> -> memref<100000x128xf32, #tpu.memory_space<hbm>>
    tpu.enqueue_indirect_dma source(%dma_start3A_31 : memref<100000x128xf32, #tpu.memory_space<hbm>>) target(%dma_start3A_25 : memref<128x128xf32, #tpu.memory_space<vmem>>) offsets(%dma_start3A_28 : memref<128xi32, #tpu.memory_space<vmem>>) semaphore(%arg9 : memref<!tpu.dma_semaphore, #tpu.memory_space<semaphore_mem>>)
    %dma_start3A_32 = arith.constant 3 : i32
    %dma_start3A_33 = arith.constant 128 : i32
    %dma_start3A_34 = arith.constant 0 : i32
    %dma_start3A_35 = tpu.memref_slice %arg7[%dma_start3A_33, %dma_start3A_34] : memref<256x128xf32, #tpu.memory_space<vmem>> -> memref<128x128xf32, #tpu.memory_space<vmem>>
    %dma_start3A_36 = arith.constant 0 : i32
    %dma_start3A_37 = tpu.memref_slice %arg5[%dma_start3A_32, %dma_start3A_36] : memref<200x128xi32, #tpu.memory_space<vmem>> -> memref<1x128xi32, #tpu.memory_space<vmem>>
    %dma_start3A_38 = tpu.memref_squeeze %dma_start3A_37 : memref<1x128xi32, #tpu.memory_space<vmem>> -> memref<128xi32, #tpu.memory_space<vmem>>
    %dma_start3A_39 = arith.constant 0 : i32
    %dma_start3A_40 = arith.constant 0 : i32
    %dma_start3A_41 = tpu.memref_slice %arg3[%dma_start3A_39, %dma_start3A_40] : memref<100000x128xf32, #tpu.memory_space<hbm>> -> memref<100000x128xf32, #tpu.memory_space<hbm>>
    tpu.enqueue_indirect_dma source(%dma_start3A_41 : memref<100000x128xf32, #tpu.memory_space<hbm>>) target(%dma_start3A_35 : memref<128x128xf32, #tpu.memory_space<vmem>>) offsets(%dma_start3A_38 : memref<128xi32, #tpu.memory_space<vmem>>) semaphore(%arg9 : memref<!tpu.dma_semaphore, #tpu.memory_space<semaphore_mem>>)
    %scan3A = arith.constant 0 : i32
    %scan3A_42 = arith.constant 50 : i32
    %scan3A_43 = arith.addi %scan3A, %scan3A_42 : i32
    %scan3A_44 = arith.constant 1 : i32
    scf.for %scan3A_53 = %scan3A to %scan3A_43 step %scan3A_44  : i32 {
      %mul3A_54 = arith.constant 2 : i32
      %mul3A_55 = arith.muli %scan3A_53, %mul3A_54 : i32
      %add3A_56 = arith.constant 0 : i32
      %add3A_57 = arith.addi %add3A_56, %mul3A_55 : i32
      %add3A_58 = arith.constant 0 : i32
      %add3A_59 = arith.addi %add3A_57, %add3A_58 : i32
      %dma_wait3A_60 = arith.constant 0 : i32
      %dma_wait3A_61 = arith.constant 0 : i32
      %dma_wait3A_62 = arith.constant 0 : i32
      %dma_wait3A_63 = tpu.memref_slice %arg6[%dma_wait3A_61, %dma_wait3A_62] : memref<256x128xf32, #tpu.memory_space<vmem>> -> memref<128x128xf32, #tpu.memory_space<vmem>>
      %dma_wait3A_64 = arith.constant 0 : i32
      %dma_wait3A_65 = tpu.memref_slice %arg5[%dma_wait3A_60, %dma_wait3A_64] : memref<200x128xi32, #tpu.memory_space<vmem>> -> memref<1x128xi32, #tpu.memory_space<vmem>>
      %dma_wait3A_66 = tpu.memref_squeeze %dma_wait3A_65 : memref<1x128xi32, #tpu.memory_space<vmem>> -> memref<128xi32, #tpu.memory_space<vmem>>
      %dma_wait3A_67 = arith.constant 0 : i32
      %dma_wait3A_68 = arith.constant 0 : i32
      %dma_wait3A_69 = tpu.memref_slice %arg3[%dma_wait3A_67, %dma_wait3A_68] : memref<100000x128xf32, #tpu.memory_space<hbm>> -> memref<100000x128xf32, #tpu.memory_space<hbm>>
      tpu.wait_indirect_dma semaphore(%arg8 : memref<!tpu.dma_semaphore, #tpu.memory_space<semaphore_mem>>) src(%dma_wait3A_69 : memref<100000x128xf32, #tpu.memory_space<hbm>>) dst(%dma_wait3A_63 : memref<128x128xf32, #tpu.memory_space<vmem>>)
      %dma_wait3A_70 = arith.constant 0 : i32
      %dma_wait3A_71 = arith.constant 0 : i32
      %dma_wait3A_72 = arith.constant 0 : i32
      %dma_wait3A_73 = tpu.memref_slice %arg6[%dma_wait3A_71, %dma_wait3A_72] : memref<256x128xf32, #tpu.memory_space<vmem>> -> memref<128x128xf32, #tpu.memory_space<vmem>>
      %dma_wait3A_74 = arith.constant 0 : i32
      %dma_wait3A_75 = tpu.memref_slice %arg5[%dma_wait3A_70, %dma_wait3A_74] : memref<200x128xi32, #tpu.memory_space<vmem>> -> memref<1x128xi32, #tpu.memory_space<vmem>>
      %dma_wait3A_76 = tpu.memref_squeeze %dma_wait3A_75 : memref<1x128xi32, #tpu.memory_space<vmem>> -> memref<128xi32, #tpu.memory_space<vmem>>
      %dma_wait3A_77 = arith.constant 0 : i32
      %dma_wait3A_78 = arith.constant 0 : i32
      %dma_wait3A_79 = tpu.memref_slice %arg3[%dma_wait3A_77, %dma_wait3A_78] : memref<100000x128xf32, #tpu.memory_space<hbm>> -> memref<100000x128xf32, #tpu.memory_space<hbm>>
      tpu.wait_indirect_dma semaphore(%arg8 : memref<!tpu.dma_semaphore, #tpu.memory_space<semaphore_mem>>) src(%dma_wait3A_79 : memref<100000x128xf32, #tpu.memory_space<hbm>>) dst(%dma_wait3A_73 : memref<128x128xf32, #tpu.memory_space<vmem>>)
      %mul3A_80 = arith.constant 2 : i32
      %mul3A_81 = arith.muli %add3A_59, %mul3A_80 : i32
      %mul3A_82 = arith.constant 128 : i32
      %mul3A_83 = arith.muli %mul3A_81, %mul3A_82 : i32
      %add3A_84 = arith.addi %mul3A_2, %mul3A_83 : i32
      %dma_start3A_85 = arith.constant 0 : i32
      %dma_start3A_86 = tpu.memref_slice %arg4[%add3A_84, %dma_start3A_85] : memref<819200x128xf32, #tpu.memory_space<hbm>> -> memref<256x128xf32, #tpu.memory_space<hbm>>
      %dma_start3A_87 = arith.constant 0 : i32
      %dma_start3A_88 = tpu.memref_slice %arg4[%add3A_84, %dma_start3A_87] : memref<819200x128xf32, #tpu.memory_space<hbm>> -> memref<256x128xf32, #tpu.memory_space<hbm>>
      tpu.enqueue_dma source(%arg6 : memref<256x128xf32, #tpu.memory_space<vmem>>) target(%dma_start3A_88 : memref<256x128xf32, #tpu.memory_space<hbm>>) target_semaphore(%arg10 : memref<!tpu.dma_semaphore, #tpu.memory_space<semaphore_mem>>)
      %add3A_89 = arith.constant 2 : i32
      %add3A_90 = arith.addi %add3A_59, %add3A_89 : i32
      %lt3A = arith.constant 100 : i32
      %lt3A_91 = arith.cmpi slt, %add3A_90, %lt3A : i32
      %convert_element_type3A = arith.extui %lt3A_91 : i1 to i32
      %cond3A = arith.constant 0 : i32
      %cond3A_92 = arith.cmpi ne, %convert_element_type3A, %cond3A : i32
      scf.if %cond3A_92 {
        %dma_wait3A_131 = arith.constant 0 : i32
        %dma_wait3A_132 = tpu.memref_slice %arg4[%mul3A_2, %dma_wait3A_131] : memref<819200x128xf32, #tpu.memory_space<hbm>> -> memref<256x128xf32, #tpu.memory_space<hbm>>
        %dma_wait3A_133 = arith.constant 0 : i32
        %dma_wait3A_134 = tpu.memref_slice %arg4[%mul3A_2, %dma_wait3A_133] : memref<819200x128xf32, #tpu.memory_space<hbm>> -> memref<256x128xf32, #tpu.memory_space<hbm>>
        tpu.wait_dma2 semaphore(%arg10 : memref<!tpu.dma_semaphore, #tpu.memory_space<semaphore_mem>>) src(%arg6 : memref<256x128xf32, #tpu.memory_space<vmem>>) dst(%dma_wait3A_134 : memref<256x128xf32, #tpu.memory_space<hbm>>)
        %mul3A_135 = arith.constant 2 : i32
        %mul3A_136 = arith.muli %add3A_90, %mul3A_135 : i32
        %add3A_137 = arith.constant 0 : i32
        %add3A_138 = arith.addi %mul3A_136, %add3A_137 : i32
        %dma_start3A_139 = arith.constant 0 : i32
        %dma_start3A_140 = arith.constant 0 : i32
        %dma_start3A_141 = tpu.memref_slice %arg6[%dma_start3A_139, %dma_start3A_140] : memref<256x128xf32, #tpu.memory_space<vmem>> -> memref<128x128xf32, #tpu.memory_space<vmem>>
        %dma_start3A_142 = arith.constant 0 : i32
        %dma_start3A_143 = tpu.memref_slice %arg5[%add3A_138, %dma_start3A_142] : memref<200x128xi32, #tpu.memory_space<vmem>> -> memref<1x128xi32, #tpu.memory_space<vmem>>
        %dma_start3A_144 = tpu.memref_squeeze %dma_start3A_143 : memref<1x128xi32, #tpu.memory_space<vmem>> -> memref<128xi32, #tpu.memory_space<vmem>>
        %dma_start3A_145 = arith.constant 0 : i32
        %dma_start3A_146 = arith.constant 0 : i32
        %dma_start3A_147 = tpu.memref_slice %arg3[%dma_start3A_145, %dma_start3A_146] : memref<100000x128xf32, #tpu.memory_space<hbm>> -> memref<100000x128xf32, #tpu.memory_space<hbm>>
        tpu.enqueue_indirect_dma source(%dma_start3A_147 : memref<100000x128xf32, #tpu.memory_space<hbm>>) target(%dma_start3A_141 : memref<128x128xf32, #tpu.memory_space<vmem>>) offsets(%dma_start3A_144 : memref<128xi32, #tpu.memory_space<vmem>>) semaphore(%arg8 : memref<!tpu.dma_semaphore, #tpu.memory_space<semaphore_mem>>)
        %mul3A_148 = arith.constant 2 : i32
        %mul3A_149 = arith.muli %add3A_90, %mul3A_148 : i32
        %add3A_150 = arith.constant 1 : i32
        %add3A_151 = arith.addi %mul3A_149, %add3A_150 : i32
        %dma_start3A_152 = arith.constant 128 : i32
        %dma_start3A_153 = arith.constant 0 : i32
        %dma_start3A_154 = tpu.memref_slice %arg6[%dma_start3A_152, %dma_start3A_153] : memref<256x128xf32, #tpu.memory_space<vmem>> -> memref<128x128xf32, #tpu.memory_space<vmem>>
        %dma_start3A_155 = arith.constant 0 : i32
        %dma_start3A_156 = tpu.memref_slice %arg5[%add3A_151, %dma_start3A_155] : memref<200x128xi32, #tpu.memory_space<vmem>> -> memref<1x128xi32, #tpu.memory_space<vmem>>
        %dma_start3A_157 = tpu.memref_squeeze %dma_start3A_156 : memref<1x128xi32, #tpu.memory_space<vmem>> -> memref<128xi32, #tpu.memory_space<vmem>>
        %dma_start3A_158 = arith.constant 0 : i32
        %dma_start3A_159 = arith.constant 0 : i32
        %dma_start3A_160 = tpu.memref_slice %arg3[%dma_start3A_158, %dma_start3A_159] : memref<100000x128xf32, #tpu.memory_space<hbm>> -> memref<100000x128xf32, #tpu.memory_space<hbm>>
        tpu.enqueue_indirect_dma source(%dma_start3A_160 : memref<100000x128xf32, #tpu.memory_space<hbm>>) target(%dma_start3A_154 : memref<128x128xf32, #tpu.memory_space<vmem>>) offsets(%dma_start3A_157 : memref<128xi32, #tpu.memory_space<vmem>>) semaphore(%arg8 : memref<!tpu.dma_semaphore, #tpu.memory_space<semaphore_mem>>)
      } else {
      }
      %add3A_93 = arith.constant 1 : i32
      %add3A_94 = arith.addi %add3A_57, %add3A_93 : i32
      %dma_wait3A_95 = arith.constant 0 : i32
      %dma_wait3A_96 = arith.constant 0 : i32
      %dma_wait3A_97 = arith.constant 0 : i32
      %dma_wait3A_98 = tpu.memref_slice %arg7[%dma_wait3A_96, %dma_wait3A_97] : memref<256x128xf32, #tpu.memory_space<vmem>> -> memref<128x128xf32, #tpu.memory_space<vmem>>
      %dma_wait3A_99 = arith.constant 0 : i32
      %dma_wait3A_100 = tpu.memref_slice %arg5[%dma_wait3A_95, %dma_wait3A_99] : memref<200x128xi32, #tpu.memory_space<vmem>> -> memref<1x128xi32, #tpu.memory_space<vmem>>
      %dma_wait3A_101 = tpu.memref_squeeze %dma_wait3A_100 : memref<1x128xi32, #tpu.memory_space<vmem>> -> memref<128xi32, #tpu.memory_space<vmem>>
      %dma_wait3A_102 = arith.constant 0 : i32
      %dma_wait3A_103 = arith.constant 0 : i32
      %dma_wait3A_104 = tpu.memref_slice %arg3[%dma_wait3A_102, %dma_wait3A_103] : memref<100000x128xf32, #tpu.memory_space<hbm>> -> memref<100000x128xf32, #tpu.memory_space<hbm>>
      tpu.wait_indirect_dma semaphore(%arg9 : memref<!tpu.dma_semaphore, #tpu.memory_space<semaphore_mem>>) src(%dma_wait3A_104 : memref<100000x128xf32, #tpu.memory_space<hbm>>) dst(%dma_wait3A_98 : memref<128x128xf32, #tpu.memory_space<vmem>>)
      %dma_wait3A_105 = arith.constant 0 : i32
      %dma_wait3A_106 = arith.constant 0 : i32
      %dma_wait3A_107 = arith.constant 0 : i32
      %dma_wait3A_108 = tpu.memref_slice %arg7[%dma_wait3A_106, %dma_wait3A_107] : memref<256x128xf32, #tpu.memory_space<vmem>> -> memref<128x128xf32, #tpu.memory_space<vmem>>
      %dma_wait3A_109 = arith.constant 0 : i32
      %dma_wait3A_110 = tpu.memref_slice %arg5[%dma_wait3A_105, %dma_wait3A_109] : memref<200x128xi32, #tpu.memory_space<vmem>> -> memref<1x128xi32, #tpu.memory_space<vmem>>
      %dma_wait3A_111 = tpu.memref_squeeze %dma_wait3A_110 : memref<1x128xi32, #tpu.memory_space<vmem>> -> memref<128xi32, #tpu.memory_space<vmem>>
      %dma_wait3A_112 = arith.constant 0 : i32
      %dma_wait3A_113 = arith.constant 0 : i32
      %dma_wait3A_114 = tpu.memref_slice %arg3[%dma_wait3A_112, %dma_wait3A_113] : memref<100000x128xf32, #tpu.memory_space<hbm>> -> memref<100000x128xf32, #tpu.memory_space<hbm>>
      tpu.wait_indirect_dma semaphore(%arg9 : memref<!tpu.dma_semaphore, #tpu.memory_space<semaphore_mem>>) src(%dma_wait3A_114 : memref<100000x128xf32, #tpu.memory_space<hbm>>) dst(%dma_wait3A_108 : memref<128x128xf32, #tpu.memory_space<vmem>>)
      %mul3A_115 = arith.constant 2 : i32
      %mul3A_116 = arith.muli %add3A_94, %mul3A_115 : i32
      %mul3A_117 = arith.constant 128 : i32
      %mul3A_118 = arith.muli %mul3A_116, %mul3A_117 : i32
      %add3A_119 = arith.addi %mul3A_2, %mul3A_118 : i32
      %dma_start3A_120 = arith.constant 0 : i32
      %dma_start3A_121 = tpu.memref_slice %arg4[%add3A_119, %dma_start3A_120] : memref<819200x128xf32, #tpu.memory_space<hbm>> -> memref<256x128xf32, #tpu.memory_space<hbm>>
      %dma_start3A_122 = arith.constant 0 : i32
      %dma_start3A_123 = tpu.memref_slice %arg4[%add3A_119, %dma_start3A_122] : memref<819200x128xf32, #tpu.memory_space<hbm>> -> memref<256x128xf32, #tpu.memory_space<hbm>>
      tpu.enqueue_dma source(%arg7 : memref<256x128xf32, #tpu.memory_space<vmem>>) target(%dma_start3A_123 : memref<256x128xf32, #tpu.memory_space<hbm>>) target_semaphore(%arg11 : memref<!tpu.dma_semaphore, #tpu.memory_space<semaphore_mem>>)
      %add3A_124 = arith.constant 2 : i32
      %add3A_125 = arith.addi %add3A_94, %add3A_124 : i32
      %lt3A_126 = arith.constant 100 : i32
      %lt3A_127 = arith.cmpi slt, %add3A_125, %lt3A_126 : i32
      %convert_element_type3A_128 = arith.extui %lt3A_127 : i1 to i32
      %cond3A_129 = arith.constant 0 : i32
      %cond3A_130 = arith.cmpi ne, %convert_element_type3A_128, %cond3A_129 : i32
      scf.if %cond3A_130 {
        %dma_wait3A_131 = arith.constant 0 : i32
        %dma_wait3A_132 = tpu.memref_slice %arg4[%mul3A_2, %dma_wait3A_131] : memref<819200x128xf32, #tpu.memory_space<hbm>> -> memref<256x128xf32, #tpu.memory_space<hbm>>
        %dma_wait3A_133 = arith.constant 0 : i32
        %dma_wait3A_134 = tpu.memref_slice %arg4[%mul3A_2, %dma_wait3A_133] : memref<819200x128xf32, #tpu.memory_space<hbm>> -> memref<256x128xf32, #tpu.memory_space<hbm>>
        tpu.wait_dma2 semaphore(%arg11 : memref<!tpu.dma_semaphore, #tpu.memory_space<semaphore_mem>>) src(%arg7 : memref<256x128xf32, #tpu.memory_space<vmem>>) dst(%dma_wait3A_134 : memref<256x128xf32, #tpu.memory_space<hbm>>)
        %mul3A_135 = arith.constant 2 : i32
        %mul3A_136 = arith.muli %add3A_125, %mul3A_135 : i32
        %add3A_137 = arith.constant 0 : i32
        %add3A_138 = arith.addi %mul3A_136, %add3A_137 : i32
        %dma_start3A_139 = arith.constant 0 : i32
        %dma_start3A_140 = arith.constant 0 : i32
        %dma_start3A_141 = tpu.memref_slice %arg7[%dma_start3A_139, %dma_start3A_140] : memref<256x128xf32, #tpu.memory_space<vmem>> -> memref<128x128xf32, #tpu.memory_space<vmem>>
        %dma_start3A_142 = arith.constant 0 : i32
        %dma_start3A_143 = tpu.memref_slice %arg5[%add3A_138, %dma_start3A_142] : memref<200x128xi32, #tpu.memory_space<vmem>> -> memref<1x128xi32, #tpu.memory_space<vmem>>
        %dma_start3A_144 = tpu.memref_squeeze %dma_start3A_143 : memref<1x128xi32, #tpu.memory_space<vmem>> -> memref<128xi32, #tpu.memory_space<vmem>>
        %dma_start3A_145 = arith.constant 0 : i32
        %dma_start3A_146 = arith.constant 0 : i32
        %dma_start3A_147 = tpu.memref_slice %arg3[%dma_start3A_145, %dma_start3A_146] : memref<100000x128xf32, #tpu.memory_space<hbm>> -> memref<100000x128xf32, #tpu.memory_space<hbm>>
        tpu.enqueue_indirect_dma source(%dma_start3A_147 : memref<100000x128xf32, #tpu.memory_space<hbm>>) target(%dma_start3A_141 : memref<128x128xf32, #tpu.memory_space<vmem>>) offsets(%dma_start3A_144 : memref<128xi32, #tpu.memory_space<vmem>>) semaphore(%arg9 : memref<!tpu.dma_semaphore, #tpu.memory_space<semaphore_mem>>)
        %mul3A_148 = arith.constant 2 : i32
        %mul3A_149 = arith.muli %add3A_125, %mul3A_148 : i32
        %add3A_150 = arith.constant 1 : i32
        %add3A_151 = arith.addi %mul3A_149, %add3A_150 : i32
        %dma_start3A_152 = arith.constant 128 : i32
        %dma_start3A_153 = arith.constant 0 : i32
        %dma_start3A_154 = tpu.memref_slice %arg7[%dma_start3A_152, %dma_start3A_153] : memref<256x128xf32, #tpu.memory_space<vmem>> -> memref<128x128xf32, #tpu.memory_space<vmem>>
        %dma_start3A_155 = arith.constant 0 : i32
        %dma_start3A_156 = tpu.memref_slice %arg5[%add3A_151, %dma_start3A_155] : memref<200x128xi32, #tpu.memory_space<vmem>> -> memref<1x128xi32, #tpu.memory_space<vmem>>
        %dma_start3A_157 = tpu.memref_squeeze %dma_start3A_156 : memref<1x128xi32, #tpu.memory_space<vmem>> -> memref<128xi32, #tpu.memory_space<vmem>>
        %dma_start3A_158 = arith.constant 0 : i32
        %dma_start3A_159 = arith.constant 0 : i32
        %dma_start3A_160 = tpu.memref_slice %arg3[%dma_start3A_158, %dma_start3A_159] : memref<100000x128xf32, #tpu.memory_space<hbm>> -> memref<100000x128xf32, #tpu.memory_space<hbm>>
        tpu.enqueue_indirect_dma source(%dma_start3A_160 : memref<100000x128xf32, #tpu.memory_space<hbm>>) target(%dma_start3A_154 : memref<128x128xf32, #tpu.memory_space<vmem>>) offsets(%dma_start3A_157 : memref<128xi32, #tpu.memory_space<vmem>>) semaphore(%arg9 : memref<!tpu.dma_semaphore, #tpu.memory_space<semaphore_mem>>)
      } else {
      }
    }
    %scan3A_45 = arith.constant 50 : i32
    %dma_wait3A = arith.constant 0 : i32
    %dma_wait3A_46 = tpu.memref_slice %arg4[%mul3A_2, %dma_wait3A] : memref<819200x128xf32, #tpu.memory_space<hbm>> -> memref<256x128xf32, #tpu.memory_space<hbm>>
    %dma_wait3A_47 = arith.constant 0 : i32
    %dma_wait3A_48 = tpu.memref_slice %arg4[%mul3A_2, %dma_wait3A_47] : memref<819200x128xf32, #tpu.memory_space<hbm>> -> memref<256x128xf32, #tpu.memory_space<hbm>>
    tpu.wait_dma2 semaphore(%arg10 : memref<!tpu.dma_semaphore, #tpu.memory_space<semaphore_mem>>) src(%arg6 : memref<256x128xf32, #tpu.memory_space<vmem>>) dst(%dma_wait3A_48 : memref<256x128xf32, #tpu.memory_space<hbm>>)
    %dma_wait3A_49 = arith.constant 0 : i32
    %dma_wait3A_50 = tpu.memref_slice %arg4[%mul3A_2, %dma_wait3A_49] : memref<819200x128xf32, #tpu.memory_space<hbm>> -> memref<256x128xf32, #tpu.memory_space<hbm>>
    %dma_wait3A_51 = arith.constant 0 : i32
    %dma_wait3A_52 = tpu.memref_slice %arg4[%mul3A_2, %dma_wait3A_51] : memref<819200x128xf32, #tpu.memory_space<hbm>> -> memref<256x128xf32, #tpu.memory_space<hbm>>
    tpu.wait_dma2 semaphore(%arg11 : memref<!tpu.dma_semaphore, #tpu.memory_space<semaphore_mem>>) src(%arg7 : memref<256x128xf32, #tpu.memory_space<vmem>>) dst(%dma_wait3A_52 : memref<256x128xf32, #tpu.memory_space<hbm>>)
    return
  }
}

</mosaic_0001>

<sc_bundles>
// kernel: _embed.3.cloned.1.call-start
scs
__scs_entry_jumppad:
0x0: {  	(pc) =	sbr.rel $0x88, $3  }
0x1: {  	(tag) =	ssettag $0x0;
	lr =	simm.s32 $0x1  }
0x2: {  	[smem:$0x3F9F] =	sst lr;
	_ =	strace $0xD0000000  }
0x3: {  	_ = 	snop  }
0x4: {  	_ = 	snop  }
0x5: {  	_ = 	snop  }
0x6: {  	_ = 	snop  }
0x7: {  	_ = 	snop  }
__scs_overlays_trampoline_lowered:
0x8: {  	[smem:$0x3FAE] =	sst s0  }
0x9: {  	[smem:$0x3FAF] =	sst s1  }
0xa: {  	[smem:$0x3FB0] =	sst s2  }
0xb: {  	[smem:$0x3FB1] =	sst s3  }
0xc: {  	[smem:$0x3FB2] =	sst s4  }
0xd: {  	[smem:$0x3FB3] =	sst s5  }
0xe: {  	[smem:$0x3FB4] =	sst s6  }
0xf: {  	[smem:$0x3FB5] =	sst s7  }
0x10: {  	[smem:$0x3FB6] =	sst s8  }
0x11: {  	[smem:$0x3FB7] =	sst s9;
	s0 =	simm.s32 @!p0 $0x0  }
0x12: {  	s1 =	sld [smem:$0x3F9D];
	s0 =	simm.s32 @p0 $0x1  }
0x13: {  	[smem:$0x3FB8] =	sst s0;
	s0 =	simm.s32 @!p1 $0x0  }
0x14: {  	s2 =	sld [smem:$0x3F9C];
	s0 =	simm.s32 @p1 $0x1  }
0x15: {  	[smem:$0x3FB9] =	sst s0;
	s0 =	simm.s32 @!p2 $0x0  }
0x16: {  	s3 =	sld [smem:$0x3FDB];
	s0 =	simm.s32 @p2 $0x1  }
0x17: {  	s4 =	simm.s32 $0x1BF5;
	[smem:$0x3FBB] =	sst s0  }
0x18: {  	s0 =	sld [smem:$0x3F9E];
	_ =	swait.ge [sflag:s4], $0x0  }
0x19: {  	s7 =	sld [smem:$0x3F9F]  }
0x1a: {  	s8 =	sadd.s32 $0xFFFFE003, lr  }
0x1b: {  	s9 =	sadd.s32 $0xFFFFFEF7, lr;
	s5 =	simm.s32 $0xFFFFFFFF;
	p2 =	slt.u32 s8, $0xFFFFF086  }
0x1c: {  	p1 =	slt.u32 s9, $0xF7A;
	s5 =	simm.s32 @!p2 $0x0  }
0x1d: {  	s5 =	simm.s32 @p1 $0x1;
	p0 =	seq.s32 s7, s2  }
0x1e: {  	s7 =	smul.u32 @!p0 $0xF7A, s2;
	p2 =	seq.s32 @!p0 s5, $0x0  }
0x1f: {  	s9 =	smul.u32 $0xF7A, s1;
	s8 =	simm.s32 @!p0 $0x1BF5;
	p2 =	por !p2, p0  }
0x20: {  	[sflag:s8] =	ssyncset.s32 @!p0 $0xFFFFF086;
	s6 =	sadd.s32 @!p0 s3, s7;
	s7 =	simm.s32 @!p0 $0x108  }
0x21: {  	s3 =	sadd.s32 s3, s9;
	s6 =	sadd.s32 @!p0 $0x88, s6;
	s7 =	simm.s32 @p2 $0x1082  }
0x22: {  	[simem:s7], [sflag:s8] =	dma.local @!p0 [hbm:s6], $0xF7A  }
0x23: {  	s9 =	sor.u32 $0xD0000000, s2;
	s6 =	simm.s32 $0x108;
	_ =	swait.ge @!p0 [sflag:s8], $0x0  }
0x24: {  	s3 =	sadd.s32 $0x88, s3;
	s6 =	simm.s32 @!p1 $0x1082;
	[sflag:s4] =	ssyncset.s32 $0xFFFFF086  }
0x25: {  	[simem:s6], [sflag:s4] =	dma.local [hbm:s3], $0xF7A  }
0x26: {  	[smem:$0x3F9F] =	sst s1;
	(tag) =	ssettag s2;
	_ =	strace s9  }
0x27: {  	s1 =	sld [smem:$0x3FAF]  }
0x28: {  	s2 =	sld [smem:$0x3FB0]  }
0x29: {  	s4 =	sld [smem:$0x3FB2]  }
0x2a: {  	p0 =	seq.s32 s5, $0x0;
	s5 =	sld [smem:$0x3FB3]  }
0x2b: {  	s6 =	sld [smem:$0x3FB4]  }
0x2c: {  	s7 =	sld [smem:$0x3FB5]  }
0x2d: {  	s3 =	simm.s32 $0x108;
	s8 =	sld [smem:$0x3FB6]  }
0x2e: {  	s3 =	simm.s32 @!p0 $0x1082;
	s9 =	sld [smem:$0x3FB7]  }
0x2f: {  	lr =	sadd.s32 s0, s3;
	s0 =	sld [smem:$0x3FAE]  }
0x30: {  	s3 =	sld [smem:$0x3FB1]  }
0x31: {  	[smem:$0x3FBA] =	sst s10  }
0x32: {  	s10 =	sld [smem:$0x3FB8];
	_ =	sdelay $0x3  }
0x33: {  	p0 =	seq.s32 s10, $0x1;
	s10 =	sld [smem:$0x3FBA];
	_ =	sdelay $0x3  }
0x34: {  	[smem:$0x3FBA] =	sst s10  }
0x35: {  	s10 =	sld [smem:$0x3FB9];
	_ =	sdelay $0x3  }
0x36: {  	p1 =	seq.s32 s10, $0x1;
	s10 =	sld [smem:$0x3FBA];
	_ =	sdelay $0x3  }
0x37: {  	[smem:$0x3FBA] =	sst s10  }
0x38: {  	s10 =	sld [smem:$0x3FBB]  }
0x39: {  	_ = 	snop;
	(pc) =	sbr.ind lr, $3  }
0x3a: {  	_ = 	snop  }
0x3b: {  	_ = 	snop  }
0x3c: {  	p2 =	seq.s32 s10, $0x1;
	s10 =	sld [smem:$0x3FBA]  }
0x3d: {  	_ =	shalt  }
0x3e: {  	_ =	shalt  }
0x3f: {  	_ =	shalt  }
0x40: {  	_ =	shalt  }
0x41: {  	_ =	shalt  }
0x42: {  	_ =	shalt  }
0x43: {  	_ =	shalt  }
0x44: {  	_ =	shalt  }
0x45: {  	_ =	shalt  }
0x46: {  	_ =	shalt  }
0x47: {  	_ =	shalt  }
0x48: {  	_ =	shalt  }
0x49: {  	_ =	shalt  }
0x4a: {  	_ =	shalt  }
0x4b: {  	_ =	shalt  }
0x4c: {  	_ =	shalt  }
0x4d: {  	_ =	shalt  }
0x4e: {  	_ =	shalt  }
0x4f: {  	_ =	shalt  }
0x50: {  	_ =	shalt  }
0x51: {  	_ =	shalt  }
0x52: {  	_ =	shalt  }
0x53: {  	_ =	shalt  }
0x54: {  	_ =	shalt  }
0x55: {  	_ =	shalt  }
0x56: {  	_ =	shalt  }
0x57: {  	_ =	shalt  }
0x58: {  	_ =	shalt  }
0x59: {  	_ =	shalt  }
0x5a: {  	_ =	shalt  }
0x5b: {  	_ =	shalt  }
0x5c: {  	_ =	shalt  }
0x5d: {  	_ =	shalt  }
0x5e: {  	_ =	shalt  }
0x5f: {  	_ =	shalt  }
0x60: {  	_ =	shalt  }
0x61: {  	_ =	shalt  }
0x62: {  	_ =	shalt  }
0x63: {  	_ =	shalt  }
0x64: {  	_ =	shalt  }
0x65: {  	_ =	shalt  }
0x66: {  	_ =	shalt  }
0x67: {  	_ =	shalt  }
0x68: {  	_ =	shalt  }
0x69: {  	_ =	shalt  }
0x6a: {  	_ =	shalt  }
0x6b: {  	_ =	shalt  }
0x6c: {  	_ =	shalt  }
0x6d: {  	_ =	shalt  }
0x6e: {  	_ =	shalt  }
0x6f: {  	_ =	shalt  }
0x70: {  	_ =	shalt  }
0x71: {  	_ =	shalt  }
0x72: {  	_ =	shalt  }
0x73: {  	_ =	shalt  }
0x74: {  	_ =	shalt  }
0x75: {  	_ =	shalt  }
0x76: {  	_ =	shalt  }
0x77: {  	_ =	shalt  }
0x78: {  	_ =	shalt  }
0x79: {  	_ =	shalt  }
0x7a: {  	_ =	shalt  }
0x7b: {  	_ =	shalt  }
0x7c: {  	_ =	shalt  }
0x7d: {  	_ =	shalt  }
0x7e: {  	_ =	shalt  }
0x7f: {  	_ =	shalt  }
0x80: {  	_ =	shalt  }
0x81: {  	_ =	shalt  }
0x82: {  	_ =	shalt  }
0x83: {  	_ =	shalt  }
0x84: {  	_ =	shalt  }
0x85: {  	_ =	shalt  }
0x86: {  	_ =	shalt  }
0x87: {  	_ =	shalt  }
.Lfunc_end0:
.L_simem_size_0:
called_computation_lowered:
.L_overlay_start_0:
0x88: {  	s2 =	sld [smem:$0x3FD9]  }
0x89: {  	s3 =	sld [smem:$0x3FFE];
	_ =	sdelay $0x1  }
0x8a: {  	s1 =	srdreg.scid  }
0x8b: {  	s0 =	sand.u32 $0x1, s1  }
0x8c: {  	s18 =	sshll.u32 s0, $0xA;
	s2 =	sadd.s32 s3, s2  }
0x8d: {  	s2 =	sadd.s32 s2, s18  }
0x8e: {  	[smem:$0x3FC6] =	sst s2  }
0x8f: {  	_ = 	snop  }
0x90: {  	s2 =	sld [smem:$0x3FC9]  }
0x91: {  	s19 =	sld [smem:$0x3FC8]  }
0x92: {  	s4 =	sld [smem:$0x3FD0];
	(tm) =	ssettm $0x1  }
0x93: {  	s5 =	sld [smem:$0x3FFB];
	_ =	sdelay $0x3  }
0x94: {  	_ =	strace s5  }
0x95: {  	s5 =	sld [smem:$0x3FFC];
	_ =	sdelay $0x3  }
0x96: {  	_ =	strace s5  }
0x97: {  	s5 =	sld [smem:$0x3FFD];
	_ =	sdelay $0x3  }
0x98: {  	_ =	strace s5  }
0x99: {  	_ =	strace $0x8FFFFFFF  }
0x9a: {  	s20 =	sld [smem:$0x3FDB];
	_ =	sdelay $0x1  }
0x9b: {  	s6 =	simm.s32 $_scs_section_size  }
0x9c: {  	s7 =	simm.s32 $_size__tile_overlayer_lowered;
	s8 =	simm.s32 $_tile_overlayer_lowered  }
0x9d: {  	s23 =	simm.s32 $0x1BFF;
	s22 =	sshll.u32 s8, $0x1;
	s5 =	sadd.s32 s6, s20  }
0x9e: {  	s9 =	simm.s32 $0x0;
	s21 =	sshll.u32 s7, $0x1;
	s7 =	sadd.s32 s22, s5  }
0x9f: {  	[timem:s9], [sflag:s23] =	dma.local [hbm:s7], s21  }
0xa0: {  	_ =	swait.ge [sflag:s23], s21  }
0xa1: {  	s6 =	ssub.s32 $0x0, s21;
	[sflag:s23] =	ssyncset.done $0x0  }
0xa2: {  	[sflag:s23] =	ssyncadd.s32 s6;
	_ =	sdelay $0x1  }
0xa3: {  	s24 =	simm.s32 $0x1B8B  }
0xa4: {  	_ =	swait.ge [sflag:s24], $0x1  }
0xa5: {  	[sflag:s24] =	ssyncset.done $0x0  }
0xa6: {  	s25 =	simm.s32 $0x1B8E;
	[sflag:s24] =	ssyncadd.s32 $0xFFFFFFFF  }
0xa7: {  	s26 =	simm.s32 $execute0_lowered;
	[smem:$0x3FD2] =	sst s25  }
0xa8: {  	s6 =	sshll.u32 s26, $0x1;
	_ =	strace $0x80000046;
	[dreg:$0x1] =	wrdreg $0xFFFFFFFF  }
0xa9: {  	s28 =	simm.s32 $_size_execute0_lowered;
	s5 =	sadd.s32 s5, s6;
	[dreg:$0x0] =	wrdreg $0x0  }
0xaa: {  	s6 =	sshll.u32 s28, $0x1;
	[dreg:$0x2] =	wrdreg s5  }
0xab: {  	[dreg:$0x3] =	wrdreg s6  }
0xac: {  	[dreg:$0x4] =	wrdreg $0xC0  }
0xad: {  	_ =	task [dreg:s9], $0x5FFFF  }
0xae: {  	[dreg:$0x1] =	wrdreg $0xFFFFFFFF  }
0xaf: {  	[dreg:$0x0] =	wrdreg $0x60  }
0xb0: {  	[dreg:$0x2] =	wrdreg s2  }
0xb1: {  	[dreg:$0x3] =	wrdreg s19  }
0xb2: {  	[dreg:$0x4] =	wrdreg s4  }
0xb3: {  	[dreg:$0x5] =	wrdreg $0x9  }
0xb4: {  	_ =	task.clear_ibuf [dreg:s9], $0x6FFFF;
	_ =	strace $0x90000046  }
0xb5: {  	s29 =	simm.s32 $0x9;
	_ =	strace $0x80000048  }
0xb6: {  	_ =	swait.ge [sflag:s29], $0x1  }
0xb7: {  	[sflag:s29] =	ssyncadd.s32 $0xFFFFFFFF  }
0xb8: {  	_ =	strace $0x90000048  }
0xb9: {  	_ =	sfence  }
0xba: {  	s30 =	sld [smem:$0x0];
	_ =	sdelay $0x2  }
0xbb: {  	s31 =	sshll.u32 s1, $0xD;
	s1 =	sshrl.u32 s1, $0x2  }
0xbc: {  	s3 =	sand.u32 $0x4000, s31;
	s1 =	sadd.s32 s1, s30  }
0xbd: {  	s0 =	sor.u32 s3, s0;
	s1 =	sshll.u32 s1, $0x11  }
0xbe: {  	s0 =	sor.u32 s1, s0  }
0xbf: {  	s0 =	sadd.s32 $0x8F2B, s0  }
0xc0: {  	[sflag:s0] =	ssyncadd.remote.s32 $0x1  }
0xc1: {  	_ =	sfence.sel $0xFFFF  }
0xc2: {  	[dreg:$0x0] =	wrdreg $0xFFFFFFFF;
	(pc) =	sbr.abs _section_cstart, $3  }
0xc3: {  	[dreg:$0x1] =	wrdreg $0xFFFFFFFF  }
0xc4: {  	_ =	task.clear_ibuf [dreg:s9], $0x2FFFF;
	_ =	strace $0x9FFFFFFF  }
0xc5: {  	(tm) =	ssettm $0x7FFFFFFF  }
tec
execute0_lowered:
.L_overlay_start_1:
0x0: {  	(tag) =	ssettag $0x1  }
0x1: {  	s4 =	rddreg [dreg:$0x0]  }
0x2: {  	s1 =	srdreg.scid;
	s2 =	rddreg [dreg:$0x1]  }
0x3: {  	s0 =	stileid.u32;
	s9 =	rddreg [dreg:$0x2];
	s3 =	simm.s32 $0x0  }
0x4: {  	s14 =	simm.s32 $0x100;
	s15 =	simm.s32 $0xE400;
	s16 =	simm.s32 $0x180  }
0x5: {  	s17 =	simm.s32 $0x12400;
	s18 =	simm.s32 $0x1;
	s12 =	smul.u32 $0xC8000, s0  }
0x6: {  	s19 =	simm.s32 $0x3;
	s7 =	sand.u32 $0x1, s1;
	s24 =	smul.u32 $0x640000, s0  }
0x7: {  	s20 =	simm.s32 $0x2;
	s22 =	sshll.u32 s0, $0x1;
	s26 =	smul.u32 $0x320000, s7  }
0x8: {  	s1 =	rddreg [dreg:$0x3];
	s5 =	sor.u32 s7, s22;
	s13 =	smul.u32 $0x64000, s7  }
0x9: {  	s21 =	simm.s32 $0x4;
	[smem:$0x7FF] =	sst s3;
	s6 =	smul.u32 $0xC80, s5  }
0xa: {  	s10 =	ssub.s32 $0x2, s7;
	_ =	strace $0x80000047;
	s8 =	smul.u32 $0x320000, s5  }
0xb: {  	s22 =	simm.s32 $0x0;
	s11 =	smul.u32 $0x64000, s5;
	s23 =	sshrl.u32 s10, $0x1  }
0xc: {  	s29 =	sadd.s32 s12, s9;
	s12 =	simm.s32 $0x6400;
	s5 =	ssub.s32 s10, s23  }
0xd: {  	s30 =	sadd.s32 s13, s29;
	s10 =	simm.s32 $0x5;
	s13 =	simm.s32 $0xA400  }
0xe: {  	s8 =	sshrl.u32 s8, $0x3;
	s4 =	sadd.s32 s4, s6;
	s5 =	smax.u32 s5, $0x1  }
0xf: {  	s28 =	sadd.s32 s11, s9;
	s25 =	sadd.s32 s9, s8;
	s8 =	sadd.s32 s26, s24  }
0x10: {  	s11 =	simm.s32 $0x80;
	s7 =	sadd.s32 $0x63000, s28;
	s31 =	sshrl.u32 s8, $0x3  }
0x11: {  	s6 =	sadd.s32 $0x62000, s25;
	s8 =	sadd.s32 $0x1000, s30;
	s9 =	sadd.s32 s31, s9  }
.LBB2_1:
0x12: {  	[tilespmem:s3], [sflag:$0x5] =	stream.linear.gather [hbm4b:s4+s3], $0x6400, $0x38;
	[tilespmem:$0x16400] =	vst v63  }
0x13: {  	_ =	swait.ge [sflag:s10], $0x6400  }
0x14: {  	[sflag:s10] =	ssyncset.done $0x0  }
0x15: {  	[sflag:s10] =	ssyncadd.s32 $0xFFFF9C00  }
0x16: {  	[tilespmem:s12], [sflag:$0x1] =	stream.indirect.gather [hbm4b:s2+s11], $0x80, s3, s11, $0xb8;
	[tilespmem:$0x16400] =	vst v63  }
0x17: {  	_ = 	snop  }
0x18: {  	[tilespmem:s13], [sflag:$0x1] =	stream.indirect.gather [hbm4b:s2+s11], $0x80, s11, s11, $0xb8;
	[tilespmem:$0x16400] =	vst v63  }
0x19: {  	_ = 	snop  }
0x1a: {  	[tilespmem:s15], [sflag:$0x2] =	stream.indirect.gather [hbm4b:s2+s11], $0x80, s14, s11, $0xb8;
	[tilespmem:$0x16400] =	vst v63  }
0x1b: {  	_ = 	snop  }
0x1c: {  	[tilespmem:s17], [sflag:$0x2] =	stream.indirect.gather [hbm4b:s2+s11], $0x80, s16, s11, $0xb8;
	[tilespmem:$0x16400] =	vst v63  }
0x1d: {  	_ =	swait.ge [sflag:s18], $0x4000  }
0x1e: {  	[sflag:s18] =	ssyncset.done $0x0  }
0x1f: {  	[sflag:s18] =	ssyncadd.s32 $0xFFFFC000  }
0x20: {  	_ =	swait.ge [sflag:s18], $0x4000  }
0x21: {  	[sflag:s18] =	ssyncset.done $0x0  }
0x22: {  	[sflag:s18] =	ssyncadd.s32 $0xFFFFC000  }
0x23: {  	[hbm4b:s9+s3] =	stream.linear.scatter [tilespmem:s12], [sflag:$0x3], $0x8000, $0x38;
	[tilespmem:$0x16400] =	vst v63  }
0x24: {  	_ =	swait.ge [sflag:s19], $0x8000  }
0x25: {  	[sflag:s19] =	ssyncset.done $0x0  }
0x26: {  	s23 =	simm.s32 $0x200;
	[sflag:s19] =	ssyncadd.s32 $0xFFFF8000  }
0x27: {  	[tilespmem:s12], [sflag:$0x1] =	stream.indirect.gather [hbm4b:s2+s11], $0x80, s23, s11, $0xb8;
	[tilespmem:$0x16400] =	vst v63  }
0x28: {  	s30 =	simm.s32 $0x280  }
0x29: {  	[tilespmem:s13], [sflag:$0x1] =	stream.indirect.gather [hbm4b:s2+s11], $0x80, s30, s11, $0xb8;
	[tilespmem:$0x16400] =	vst v63  }
0x2a: {  	_ =	swait.ge [sflag:s20], $0x4000  }
0x2b: {  	[sflag:s20] =	ssyncset.done $0x0  }
0x2c: {  	[sflag:s20] =	ssyncadd.s32 $0xFFFFC000  }
0x2d: {  	_ =	swait.ge [sflag:s20], $0x4000  }
0x2e: {  	[sflag:s20] =	ssyncset.done $0x0  }
0x2f: {  	[sflag:s20] =	ssyncadd.s32 $0xFFFFC000  }
0x30: {  	[hbm4b:s8+s3] =	stream.linear.scatter [tilespmem:s15], [sflag:$0x4], $0x8000, $0x38;
	[tilespmem:$0x16400] =	vst v63  }
0x31: {  	s31 =	simm.s32 $0x300;
	_ =	swait.ge [sflag:s21], $0x8000  }
0x32: {  	s26 =	simm.s32 $0x380;
	s24 =	sadd.s32 $0x2000, s8;
	[sflag:s21] =	ssyncset.done $0x0  }
0x33: {  	s25 =	sadd.s32 $0x2000, s9;
	s23 =	simm.s32 $0x800;
	[sflag:s21] =	ssyncadd.s32 $0xFFFF8000  }
0x34: {  	[tilespmem:s15], [sflag:$0x2] =	stream.indirect.gather [hbm4b:s2+s11], $0x80, s31, s11, $0xb8;
	[tilespmem:$0x16400] =	vst v63  }
.LBB2_2:
0x35: {  	[tilespmem:s17], [sflag:$0x2] =	stream.indirect.gather [hbm4b:s2+s11], $0x80, s26, s11, $0xb8;
	[tilespmem:$0x16400] =	vst v63  }
0x36: {  	s26 =	smov.u32 s23  }
0x37: {  	p0 =	sne.s32 s23, $0x18000;
	s23 =	sadd.s32 $0x800, s23;
	_ =	swait.ge [sflag:s18], $0x4000  }
0x38: {  	[sflag:s18] =	ssyncset.done $0x0  }
0x39: {  	[sflag:s18] =	ssyncadd.s32 $0xFFFFC000  }
0x3a: {  	_ =	swait.ge [sflag:s18], $0x4000  }
0x3b: {  	[sflag:s18] =	ssyncset.done $0x0  }
0x3c: {  	[sflag:s18] =	ssyncadd.s32 $0xFFFFC000  }
0x3d: {  	[hbm4b:s25+s3] =	stream.linear.scatter [tilespmem:s12], [sflag:$0x3], $0x8000, $0x38;
	[tilespmem:$0x16400] =	vst v63  }
0x3e: {  	_ =	swait.ge [sflag:s19], $0x8000  }
0x3f: {  	s26 =	sshra.s32 s26, $0x2;
	[sflag:s19] =	ssyncset.done $0x0  }
0x40: {  	s28 =	sadd.s32 $0x200, s26;
	[sflag:s19] =	ssyncadd.s32 $0xFFFF8000  }
0x41: {  	[tilespmem:s12], [sflag:$0x1] =	stream.indirect.gather [hbm4b:s2+s11], $0x80, s28, s11, $0xb8;
	[tilespmem:$0x16400] =	vst v63  }
0x42: {  	s28 =	sadd.s32 $0x280, s26  }
0x43: {  	[tilespmem:s13], [sflag:$0x1] =	stream.indirect.gather [hbm4b:s2+s11], $0x80, s28, s11, $0xb8;
	[tilespmem:$0x16400] =	vst v63  }
0x44: {  	_ =	swait.ge [sflag:s20], $0x4000  }
0x45: {  	[sflag:s20] =	ssyncset.done $0x0  }
0x46: {  	[sflag:s20] =	ssyncadd.s32 $0xFFFFC000  }
0x47: {  	_ =	swait.ge [sflag:s20], $0x4000  }
0x48: {  	[sflag:s20] =	ssyncset.done $0x0  }
0x49: {  	[sflag:s20] =	ssyncadd.s32 $0xFFFFC000  }
0x4a: {  	[hbm4b:s24+s3] =	stream.linear.scatter [tilespmem:s15], [sflag:$0x4], $0x8000, $0x38;
	[tilespmem:$0x16400] =	vst v63  }
.Ltmp0:
0x4b: {  	_ =	swait.ge [sflag:s21], $0x8000;
	(pc) =	sbr.rel @p0 .LBB2_2-.Ltmp0, $4  }
0x4c: {  	[sflag:s21] =	ssyncset.done $0x0  }
0x4d: {  	s28 =	sadd.s32 $0x300, s26;
	[sflag:s21] =	ssyncadd.s32 $0xFFFF8000  }
0x4e: {  	[tilespmem:s15], [sflag:$0x2] =	stream.indirect.gather [hbm4b:s2+s11], $0x80, s28, s11, $0xb8;
	[tilespmem:$0x16400] =	vst v63  }
0x4f: {  	s25 =	sadd.s32 $0x2000, s25;
	s26 =	sadd.s32 $0x380, s26;
	s24 =	sadd.s32 $0x2000, s24  }
0x50: {  	[tilespmem:s17], [sflag:$0x2] =	stream.indirect.gather [hbm4b:s2+s11], $0x80, s26, s11, $0xb8;
	[tilespmem:$0x16400] =	vst v63  }
0x51: {  	_ =	swait.ge [sflag:s18], $0x4000  }
0x52: {  	[sflag:s18] =	ssyncset.done $0x0  }
0x53: {  	[sflag:s18] =	ssyncadd.s32 $0xFFFFC000  }
0x54: {  	_ =	swait.ge [sflag:s18], $0x4000  }
0x55: {  	[sflag:s18] =	ssyncset.done $0x0  }
0x56: {  	[sflag:s18] =	ssyncadd.s32 $0xFFFFC000  }
0x57: {  	[hbm4b:s6+s3] =	stream.linear.scatter [tilespmem:s12], [sflag:$0x3], $0x8000, $0x38;
	[tilespmem:$0x16400] =	vst v63  }
0x58: {  	_ =	swait.ge [sflag:s20], $0x4000  }
0x59: {  	[sflag:s20] =	ssyncset.done $0x0  }
0x5a: {  	[sflag:s20] =	ssyncadd.s32 $0xFFFFC000  }
0x5b: {  	_ =	swait.ge [sflag:s20], $0x4000  }
0x5c: {  	[sflag:s20] =	ssyncset.done $0x0  }
0x5d: {  	s22 =	sadd.s32 $0x1, s22;
	[sflag:s20] =	ssyncadd.s32 $0xFFFFC000  }
0x5e: {  	[hbm4b:s7+s3] =	stream.linear.scatter [tilespmem:s15], [sflag:$0x4], $0x8000, $0x38;
	[tilespmem:$0x16400] =	vst v63  }
0x5f: {  	p0 =	sne.s32 s22, s5;
	_ =	swait.ge [sflag:s19], $0x8000  }
.Ltmp1:
0x60: {  	[sflag:s19] =	ssyncset.done $0x0;
	(pc) =	sbr.rel @p0 .LBB2_1-.Ltmp1, $4  }
0x61: {  	[sflag:s19] =	ssyncadd.s32 $0xFFFF8000  }
0x62: {  	_ =	swait.ge [sflag:s21], $0x8000  }
0x63: {  	[sflag:s21] =	ssyncset.done $0x0  }
0x64: {  	[sflag:s21] =	ssyncadd.s32 $0xFFFF8000  }
0x65: {  	_ =	sfence.sel $0x180000  }
0x66: {  	[bflag:$0x0] =	sbarrier.arrive $0xFFFF  }
0x67: {  	p0 =	sne.s32 s0, $0x0;
	_ =	strace $0x90000047  }
0x68: {  	s0 =	sadd.s32 @!p0 $0x100000, s1;
	[bflag:$0x2] =	sbarrier.arrive $0xFFFF  }
0x69: {  	[sflag:s0] =	ssyncadd.tile.s32 @!p0 $0x1;
	_ =	shalt  }
.Lfunc_end2:
_tile_overlayer_lowered:
.L_overlay_start_2:
0x6a: {  	(tag) =	ssettag $0x2  }
0x6b: {  	s0 =	rddreg [dreg:$0x0];
	s2 =	stileid.u32  }
0x6c: {  	s1 =	rddreg [dreg:$0x1];
	p0 =	sne.s32 s2, $0x0  }
0x6d: {  	s3 =	rddreg [dreg:$0x2];
	[bflag:$0x3] =	sbarrier.arrive $0xFFFF;
	s2 =	simm.s32 @!p0 $0x1C05  }
0x6e: {  	[timem:s3], [sflag:s2] =	dma.local @!p0 [hbm:s0], s1  }
0x6f: {  	s0 =	simm.s32 @!p0 $0x5  }
0x70: {  	_ =	swait.ge @!p0 [sflag:s0], s1  }
0x71: {  	s1 =	ssub.s32 @!p0 $0x0, s1;
	[sflag:s0] =	ssyncset.done @!p0 $0x0  }
0x72: {  	[sflag:s0] =	ssyncadd.s32 @!p0 s1  }
0x73: {  	[bflag:$0x3] =	sbarrier.arrive $0xFFFF  }
0x74: {  	_ =	shalt  }

</sc_bundles>
